<compile_context>
chip_gen: v7x
topology: tpu7x:2x2x1
jax: 0.10.2.dev20260603
libtpu: 0.0.44.dev20260713+nightly
codegen_flags: <defaults>
</compile_context>

<pallas_src>
import functools

import jax
import jax.numpy as jnp
from jax import lax
from jax.experimental import pallas as pl
from jax.experimental.pallas import tpu as pltpu
from jax.experimental.pallas import tpu_sc as plsc

NC = 2
NS = 16
CHUNK = 80


def _sc_aggregate(x, src, dst, zeros, n, d, e):
  ew = e // (NC * NS)
  iters = ew // CHUNK
  npad = ((n + NS * 8 - 1) // (NS * 8)) * NS * 8
  rpt = npad // NS
  rlast = n - (NS - 1) * rpt

  mesh = plsc.VectorSubcoreMesh(core_axis_name="c", subcore_axis_name="s")

  @functools.partial(
      pl.kernel,
      out_type=(
          jax.ShapeDtypeStruct((n, d), jnp.float32),
          jax.ShapeDtypeStruct((n, d), jnp.float32),
      ),
      mesh=mesh,
      scratch_types=[
          pltpu.VMEM((CHUNK,), jnp.int32),
          pltpu.VMEM((CHUNK,), jnp.int32),
          pltpu.VMEM((CHUNK, d), jnp.float32),
          pltpu.VMEM_SHARED((npad, d), jnp.float32),
          pltpu.SemaphoreType.DMA,
      ],
  )
  def agg_kernel(x_hbm, src_hbm, dst_hbm, z_hbm, out0, out1,
                 src_v, dst_v, rows_v, agg_sh, sem):
    c = lax.axis_index("c")
    s = lax.axis_index("s")
    w = c * NS + s

    row0 = s * rpt

    @pl.when(s < NS - 1)
    def _():
      pltpu.sync_copy(z_hbm.at[pl.ds(row0, rpt)],
                      agg_sh.at[pl.ds(row0, rpt)])

    @pl.when(s == NS - 1)
    def _():
      pltpu.sync_copy(z_hbm.at[pl.ds(row0, rlast)],
                      agg_sh.at[pl.ds(row0, rlast)])

    plsc.subcore_barrier()

    def body(i, carry):
      base = w * ew + i * CHUNK
      pltpu.sync_copy(src_hbm.at[pl.ds(base, CHUNK)], src_v)
      pltpu.sync_copy(dst_hbm.at[pl.ds(base, CHUNK)], dst_v)
      pltpu.async_copy(x_hbm.at[src_v], rows_v, sem).wait()
      pltpu.sync_copy(rows_v, agg_sh.at[dst_v], add=True)
      return carry

    lax.fori_loop(0, iters, body, 0)
    plsc.subcore_barrier()

    @pl.when((c == 0) & (s < NS - 1))
    def _():
      pltpu.sync_copy(agg_sh.at[pl.ds(row0, rpt)],
                      out0.at[pl.ds(row0, rpt)])

    @pl.when((c == 0) & (s == NS - 1))
    def _():
      pltpu.sync_copy(agg_sh.at[pl.ds(row0, rlast)],
                      out0.at[pl.ds(row0, rlast)])

    @pl.when((c == 1) & (s < NS - 1))
    def _():
      pltpu.sync_copy(agg_sh.at[pl.ds(row0, rpt)],
                      out1.at[pl.ds(row0, rpt)])

    @pl.when((c == 1) & (s == NS - 1))
    def _():
      pltpu.sync_copy(agg_sh.at[pl.ds(row0, rlast)],
                      out1.at[pl.ds(row0, rlast)])

  return agg_kernel(x, src, dst, zeros)


def _tc_mlp(x, agg0, agg1, batch3, W1f, b1f, W2, b2, lin_W, lin_b,
            fin_Wp, fin_bp, n, d, g, rblk):
  nb = n // rblk

  def body(x_ref, a0_ref, a1_ref, b_ref, w1_ref, b1_ref, w2_ref, b2_ref,
           lw_ref, lb_ref, fw_ref, fb_ref, out_ref, acc):
    i = pl.program_id(0)

    @pl.when(i == 0)
    def _():
      acc[...] = jnp.zeros_like(acc)

    h = x_ref[...] + a0_ref[...] + a1_ref[...]
    h = jnp.maximum(
        jnp.dot(h, w1_ref[...], preferred_element_type=jnp.float32)
        + b1_ref[...], 0.0)
    h = jnp.maximum(
        jnp.dot(h, w2_ref[...], preferred_element_type=jnp.float32)
        + b2_ref[...], 0.0)

    seg = b_ref[0, 0, :]
    mask = (seg[None, :] ==
            lax.broadcasted_iota(jnp.int32, (g, rblk), 0)).astype(jnp.float32)
    acc[...] += jnp.dot(mask, h, preferred_element_type=jnp.float32)

    @pl.when(i == nb - 1)
    def _():
      p = jnp.maximum(
          jnp.dot(acc[...], lw_ref[...], preferred_element_type=jnp.float32)
          + lb_ref[...], 0.0)
      t = jnp.dot(p, fw_ref[...], preferred_element_type=jnp.float32) \
          + fb_ref[...]
      out_ref[...] = jnp.where(t >= 0.0, t, 0.01 * t)

  return pl.pallas_call(
      body,
      grid=(nb,),
      in_specs=[
          pl.BlockSpec((rblk, d), lambda i: (i, 0)),
          pl.BlockSpec((rblk, d), lambda i: (i, 0)),
          pl.BlockSpec((rblk, d), lambda i: (i, 0)),
          pl.BlockSpec((1, 1, rblk), lambda i: (i, 0, 0)),
          pl.BlockSpec((d, d), lambda i: (0, 0)),
          pl.BlockSpec((1, d), lambda i: (0, 0)),
          pl.BlockSpec((d, d), lambda i: (0, 0)),
          pl.BlockSpec((1, d), lambda i: (0, 0)),
          pl.BlockSpec((d, d), lambda i: (0, 0)),
          pl.BlockSpec((1, d), lambda i: (0, 0)),
          pl.BlockSpec((d, d), lambda i: (0, 0)),
          pl.BlockSpec((1, d), lambda i: (0, 0)),
      ],
      out_specs=pl.BlockSpec((g, d), lambda i: (0, 0)),
      out_shape=jax.ShapeDtypeStruct((g, d), jnp.float32),
      scratch_shapes=[pltpu.VMEM((g, d), jnp.float32)],
  )(x, agg0, agg1, batch3, W1f, b1f, W2, b2, lin_W, lin_b, fin_Wp, fin_bp)


def kernel(x, edge_index, batch, W1, b1, bn_gamma, bn_beta, bn_mean, bn_var,
           W2, b2, lin_W, lin_b, fin_W, fin_b):
  n, d = x.shape
  e = edge_index.shape[1]
  g = 64
  rblk = 1000

  src = edge_index[0]
  dst = edge_index[1]
  zeros = jnp.zeros((n, d), jnp.float32)

  agg0, agg1 = _sc_aggregate(x, src, dst, zeros, n, d, e)

  scale = bn_gamma * lax.rsqrt(bn_var + 1e-5)
  W1f = W1 * scale[None, :]
  b1f = (b1 - bn_mean) * scale + bn_beta

  batch3 = batch.reshape(n // rblk, 1, rblk)
  fin_Wp = jnp.zeros((d, d), jnp.float32).at[:, :1].set(fin_W)
  fin_bp = jnp.zeros((1, d), jnp.float32).at[:, :1].set(fin_b[None, :])

  out = _tc_mlp(x, agg0, agg1, batch3, W1f, b1f[None, :], W2, b2[None, :],
                lin_W, lin_b[None, :], fin_Wp, fin_bp, n, d, g, rblk)
  return out[:, :1]

# --- scband reference (transcript-rebuilt; emitter-appended) ---
"""Pipeline reference for scband-gin-10496900071788 (READ-ONLY COPY).

The authoritative reference and input builder live on the scoring server;
editing this copy changes nothing except your own understanding.
"""

import jax, jax.numpy as jnp
import numpy as np

N = 10000
E = 320000
D = 128
G = 64
EPS_BN = 1e-5


def setup_inputs(seed: int = 0) -> dict:
    key = jax.random.key(seed)
    ks = jax.random.split(key, 16)
    s = 1.0 / np.sqrt(D)
    x = jax.random.normal(ks[0], (N, D), dtype=jnp.float32)
    edge_index = jax.random.randint(ks[1], (2, E), 0, N, dtype=jnp.int32)
    batch = jnp.sort(jax.random.randint(ks[2], (N,), 0, G, dtype=jnp.int32))
    W1 = jax.random.normal(ks[3], (D, D), dtype=jnp.float32) * s
    b1 = jnp.zeros((D,), dtype=jnp.float32)
    bn_gamma = jnp.ones((D,), dtype=jnp.float32)
    bn_beta = jnp.zeros((D,), dtype=jnp.float32)
    bn_mean = jnp.zeros((D,), dtype=jnp.float32)
    bn_var = jnp.ones((D,), dtype=jnp.float32)
    W2 = jax.random.normal(ks[4], (D, D), dtype=jnp.float32) * s
    b2 = jnp.zeros((D,), dtype=jnp.float32)
    lin_W = jax.random.normal(ks[5], (D, D), dtype=jnp.float32) * s
    lin_b = jnp.zeros((D,), dtype=jnp.float32)
    fin_W = jax.random.normal(ks[6], (D, 1), dtype=jnp.float32) * s
    fin_b = jnp.zeros((1,), dtype=jnp.float32)
    return {
        'x': x, 'edge_index': edge_index, 'batch': batch,
        'W1': W1, 'b1': b1, 'bn_gamma': bn_gamma, 'bn_beta': bn_beta,
        'bn_mean': bn_mean, 'bn_var': bn_var, 'W2': W2, 'b2': b2,
        'lin_W': lin_W, 'lin_b': lin_b, 'fin_W': fin_W, 'fin_b': fin_b,
    }


def reference(x, edge_index, batch, W1, b1, bn_gamma, bn_beta, bn_mean, bn_var,
              W2, b2, lin_W, lin_b, fin_W, fin_b):
    src = edge_index[0]
    dst = edge_index[1]
    # GINConv: h = MLP((1 + eps) * x + sum_{j in N(i)} x_j), eps = 0
    msgs = jnp.take(x, src, axis=0)                      # gather [E, D]
    agg = jnp.zeros_like(x).at[dst].add(msgs)            # scatter-add
    h = x + agg
    # MLP: Linear -> BatchNorm1d (eval) -> ReLU -> Linear -> ReLU
    h = h @ W1 + b1
    h = (h - bn_mean) * jax.lax.rsqrt(bn_var + EPS_BN) * bn_gamma + bn_beta
    h = jax.nn.relu(h)
    h = jax.nn.relu(h @ W2 + b2)
    # global_add_pool over graphs
    pooled = jax.ops.segment_sum(h, batch, num_segments=G)
    h = jax.nn.relu(pooled @ lin_W + lin_b)
    # dropout is identity in eval mode
    out = jax.nn.leaky_relu(h @ fin_W + fin_b, negative_slope=0.01)
    return out

if __name__ == "__main__":
    import jax
    _d = setup_inputs()
    print(jax.jit(kernel)(*tuple(_d.values())))

</pallas_src>

<mosaic_0001>
#map = affine_map<(d0, d1) -> (0, 0)>
#map1 = affine_map<(d0, d1) -> (0)>
module attributes {stable_mosaic.version = 14 : i64} {
  func.func @agg_kernel(%arg0: i32, %arg1: i32, %arg2: memref<10000x128xf32, #tpu.memory_space<hbm>>, %arg3: memref<320000xi32, #tpu.memory_space<hbm>>, %arg4: memref<320000xi32, #tpu.memory_space<hbm>>, %arg5: memref<10000x128xf32, #tpu.memory_space<hbm>>, %arg6: memref<10000x128xf32, #tpu.memory_space<hbm>>, %arg7: memref<10000x128xf32, #tpu.memory_space<hbm>>, %arg8: memref<80xi32, #tpu.memory_space<vmem>>, %arg9: memref<80xi32, #tpu.memory_space<vmem>>, %arg10: memref<80x128xf32, #tpu.memory_space<vmem>>, %arg11: memref<10112x128xf32, #tpu.memory_space<vmem_shared>>, %arg12: memref<!tpu.dma_semaphore, #tpu.memory_space<semaphore_mem>>) attributes {dimension_semantics = [#tpu.dimension_semantics<core_parallel>, #tpu.dimension_semantics<subcore_parallel>], iteration_bounds = array<i64: 2, 16>, scalar_prefetch = 0 : i64, scratch_operands = 5 : i64, tpu.core_type = #tpu.core_type<sc_vector_subcore>, window_params = [{transform_indices = #map}, {transform_indices = #map1}, {transform_indices = #map1}, {transform_indices = #map}, {transform_indices = #map}, {transform_indices = #map}]} {
    %mul3A = arith.constant 16 : i32
    %mul3A_0 = arith.muli %arg0, %mul3A : i32
    %add3A = arith.addi %mul3A_0, %arg1 : i32
    %mul3A_1 = arith.constant 632 : i32
    %mul3A_2 = arith.muli %arg1, %mul3A_1 : i32
    %lt3A = arith.constant 15 : i32
    %lt3A_3 = arith.cmpi slt, %arg1, %lt3A : i32
    %convert_element_type3A = arith.extui %lt3A_3 : i1 to i32
    %cond3A = arith.constant 0 : i32
    %cond3A_4 = arith.cmpi ne, %convert_element_type3A, %cond3A : i32
    scf.if %cond3A_4 {
      "tpu.region"() ({
        %run_scoped3A = tpu.sem_alloc : memref<!tpu.dma_semaphore, #tpu.memory_space<semaphore_mem>>
        %dma_start3A = arith.constant 0 : i32
        %dma_start3A_46 = tpu.memref_slice %arg11[%mul3A_2, %dma_start3A] : memref<10112x128xf32, #tpu.memory_space<vmem_shared>> -> memref<632x128xf32, #tpu.memory_space<vmem_shared>>
        %dma_start3A_47 = arith.constant 0 : i32
        %dma_start3A_48 = tpu.memref_slice %arg5[%mul3A_2, %dma_start3A_47] : memref<10000x128xf32, #tpu.memory_space<hbm>> -> memref<632x128xf32, #tpu.memory_space<hbm>>
        tpu.enqueue_dma source(%dma_start3A_48 : memref<632x128xf32, #tpu.memory_space<hbm>>) target(%dma_start3A_46 : memref<632x128xf32, #tpu.memory_space<vmem_shared>>) target_semaphore(%run_scoped3A : memref<!tpu.dma_semaphore, #tpu.memory_space<semaphore_mem>>)
        %dma_wait3A = arith.constant 0 : i32
        %dma_wait3A_49 = tpu.memref_slice %arg11[%mul3A_2, %dma_wait3A] : memref<10112x128xf32, #tpu.memory_space<vmem_shared>> -> memref<632x128xf32, #tpu.memory_space<vmem_shared>>
        %dma_wait3A_50 = arith.constant 0 : i32
        %dma_wait3A_51 = tpu.memref_slice %arg5[%mul3A_2, %dma_wait3A_50] : memref<10000x128xf32, #tpu.memory_space<hbm>> -> memref<632x128xf32, #tpu.memory_space<hbm>>
        tpu.wait_dma2 semaphore(%run_scoped3A : memref<!tpu.dma_semaphore, #tpu.memory_space<semaphore_mem>>) src(%dma_wait3A_51 : memref<632x128xf32, #tpu.memory_space<hbm>>) dst(%dma_wait3A_49 : memref<632x128xf32, #tpu.memory_space<vmem_shared>>)
        tpu.yield
      }) : () -> ()
    } else {
    }
    %eq3A = arith.constant 15 : i32
    %eq3A_5 = arith.cmpi eq, %arg1, %eq3A : i32
    %convert_element_type3A_6 = arith.extui %eq3A_5 : i1 to i32
    %cond3A_7 = arith.constant 0 : i32
    %cond3A_8 = arith.cmpi ne, %convert_element_type3A_6, %cond3A_7 : i32
    scf.if %cond3A_8 {
      "tpu.region"() ({
        %run_scoped3A = tpu.sem_alloc : memref<!tpu.dma_semaphore, #tpu.memory_space<semaphore_mem>>
        %dma_start3A = arith.constant 0 : i32
        %dma_start3A_46 = tpu.memref_slice %arg11[%mul3A_2, %dma_start3A] : memref<10112x128xf32, #tpu.memory_space<vmem_shared>> -> memref<520x128xf32, #tpu.memory_space<vmem_shared>>
        %dma_start3A_47 = arith.constant 0 : i32
        %dma_start3A_48 = tpu.memref_slice %arg5[%mul3A_2, %dma_start3A_47] : memref<10000x128xf32, #tpu.memory_space<hbm>> -> memref<520x128xf32, #tpu.memory_space<hbm>>
        tpu.enqueue_dma source(%dma_start3A_48 : memref<520x128xf32, #tpu.memory_space<hbm>>) target(%dma_start3A_46 : memref<520x128xf32, #tpu.memory_space<vmem_shared>>) target_semaphore(%run_scoped3A : memref<!tpu.dma_semaphore, #tpu.memory_space<semaphore_mem>>)
        %dma_wait3A = arith.constant 0 : i32
        %dma_wait3A_49 = tpu.memref_slice %arg11[%mul3A_2, %dma_wait3A] : memref<10112x128xf32, #tpu.memory_space<vmem_shared>> -> memref<520x128xf32, #tpu.memory_space<vmem_shared>>
        %dma_wait3A_50 = arith.constant 0 : i32
        %dma_wait3A_51 = tpu.memref_slice %arg5[%mul3A_2, %dma_wait3A_50] : memref<10000x128xf32, #tpu.memory_space<hbm>> -> memref<520x128xf32, #tpu.memory_space<hbm>>
        tpu.wait_dma2 semaphore(%run_scoped3A : memref<!tpu.dma_semaphore, #tpu.memory_space<semaphore_mem>>) src(%dma_wait3A_51 : memref<520x128xf32, #tpu.memory_space<hbm>>) dst(%dma_wait3A_49 : memref<520x128xf32, #tpu.memory_space<vmem_shared>>)
        tpu.yield
      }) : () -> ()
    } else {
    }
    %barrier3A = arith.constant 0 : index
    tpu.barrier barrier_id(%barrier3A)
    %scan3A = arith.constant 0 : i32
    %scan3A_9 = arith.constant 0 : i32
    %scan3A_10 = arith.constant 125 : i32
    %scan3A_11 = arith.addi %scan3A_9, %scan3A_10 : i32
    %scan3A_12 = arith.constant 1 : i32
    scf.for %scan3A_46 = %scan3A_9 to %scan3A_11 step %scan3A_12  : i32 {
      %mul3A_47 = arith.constant 10000 : i32
      %mul3A_48 = arith.muli %add3A, %mul3A_47 : i32
      %mul3A_49 = arith.constant 80 : i32
      %mul3A_50 = arith.muli %scan3A_46, %mul3A_49 : i32
      %add3A_51 = arith.addi %mul3A_48, %mul3A_50 : i32
      "tpu.region"() ({
        %run_scoped3A = tpu.sem_alloc : memref<!tpu.dma_semaphore, #tpu.memory_space<semaphore_mem>>
        %dma_start3A_56 = tpu.memref_slice %arg3[%add3A_51] : memref<320000xi32, #tpu.memory_space<hbm>> -> memref<80xi32, #tpu.memory_space<hbm>>
        %dma_start3A_57 = tpu.memref_slice %arg3[%add3A_51] : memref<320000xi32, #tpu.memory_space<hbm>> -> memref<80xi32, #tpu.memory_space<hbm>>
        tpu.enqueue_dma source(%dma_start3A_57 : memref<80xi32, #tpu.memory_space<hbm>>) target(%arg8 : memref<80xi32, #tpu.memory_space<vmem>>) target_semaphore(%run_scoped3A : memref<!tpu.dma_semaphore, #tpu.memory_space<semaphore_mem>>)
        %dma_wait3A_58 = tpu.memref_slice %arg3[%add3A_51] : memref<320000xi32, #tpu.memory_space<hbm>> -> memref<80xi32, #tpu.memory_space<hbm>>
        %dma_wait3A_59 = tpu.memref_slice %arg3[%add3A_51] : memref<320000xi32, #tpu.memory_space<hbm>> -> memref<80xi32, #tpu.memory_space<hbm>>
        tpu.wait_dma2 semaphore(%run_scoped3A : memref<!tpu.dma_semaphore, #tpu.memory_space<semaphore_mem>>) src(%dma_wait3A_59 : memref<80xi32, #tpu.memory_space<hbm>>) dst(%arg8 : memref<80xi32, #tpu.memory_space<vmem>>)
        tpu.yield
      }) : () -> ()
      "tpu.region"() ({
        %run_scoped3A = tpu.sem_alloc : memref<!tpu.dma_semaphore, #tpu.memory_space<semaphore_mem>>
        %dma_start3A_56 = tpu.memref_slice %arg4[%add3A_51] : memref<320000xi32, #tpu.memory_space<hbm>> -> memref<80xi32, #tpu.memory_space<hbm>>
        %dma_start3A_57 = tpu.memref_slice %arg4[%add3A_51] : memref<320000xi32, #tpu.memory_space<hbm>> -> memref<80xi32, #tpu.memory_space<hbm>>
        tpu.enqueue_dma source(%dma_start3A_57 : memref<80xi32, #tpu.memory_space<hbm>>) target(%arg9 : memref<80xi32, #tpu.memory_space<vmem>>) target_semaphore(%run_scoped3A : memref<!tpu.dma_semaphore, #tpu.memory_space<semaphore_mem>>)
        %dma_wait3A_58 = tpu.memref_slice %arg4[%add3A_51] : memref<320000xi32, #tpu.memory_space<hbm>> -> memref<80xi32, #tpu.memory_space<hbm>>
        %dma_wait3A_59 = tpu.memref_slice %arg4[%add3A_51] : memref<320000xi32, #tpu.memory_space<hbm>> -> memref<80xi32, #tpu.memory_space<hbm>>
        tpu.wait_dma2 semaphore(%run_scoped3A : memref<!tpu.dma_semaphore, #tpu.memory_space<semaphore_mem>>) src(%dma_wait3A_59 : memref<80xi32, #tpu.memory_space<hbm>>) dst(%arg9 : memref<80xi32, #tpu.memory_space<vmem>>)
        tpu.yield
      }) : () -> ()
      %dma_start3A = arith.constant 0 : i32
      %dma_start3A_52 = arith.constant 0 : i32
      %dma_start3A_53 = tpu.memref_slice %arg2[%dma_start3A, %dma_start3A_52] : memref<10000x128xf32, #tpu.memory_space<hbm>> -> memref<10000x128xf32, #tpu.memory_space<hbm>>
      tpu.enqueue_indirect_dma source(%dma_start3A_53 : memref<10000x128xf32, #tpu.memory_space<hbm>>) target(%arg10 : memref<80x128xf32, #tpu.memory_space<vmem>>) offsets(%arg8 : memref<80xi32, #tpu.memory_space<vmem>>) semaphore(%arg12 : memref<!tpu.dma_semaphore, #tpu.memory_space<semaphore_mem>>)
      %dma_wait3A = arith.constant 0 : i32
      %dma_wait3A_54 = arith.constant 0 : i32
      %dma_wait3A_55 = tpu.memref_slice %arg2[%dma_wait3A, %dma_wait3A_54] : memref<10000x128xf32, #tpu.memory_space<hbm>> -> memref<10000x128xf32, #tpu.memory_space<hbm>>
      tpu.wait_indirect_dma semaphore(%arg12 : memref<!tpu.dma_semaphore, #tpu.memory_space<semaphore_mem>>) src(%dma_wait3A_55 : memref<10000x128xf32, #tpu.memory_space<hbm>>) dst(%arg10 : memref<80x128xf32, #tpu.memory_space<vmem>>)
      "tpu.region"() ({
        %run_scoped3A = tpu.sem_alloc : memref<!tpu.dma_semaphore, #tpu.memory_space<semaphore_mem>>
        %dma_start3A_56 = arith.constant 0 : i32
        %dma_start3A_57 = arith.constant 0 : i32
        %dma_start3A_58 = tpu.memref_slice %arg11[%dma_start3A_56, %dma_start3A_57] : memref<10112x128xf32, #tpu.memory_space<vmem_shared>> -> memref<10112x128xf32, #tpu.memory_space<vmem_shared>>
        tpu.enqueue_indirect_dma source(%arg10 : memref<80x128xf32, #tpu.memory_space<vmem>>) target(%dma_start3A_58 : memref<10112x128xf32, #tpu.memory_space<vmem_shared>>) offsets(%arg9 : memref<80xi32, #tpu.memory_space<vmem>>) semaphore(%run_scoped3A : memref<!tpu.dma_semaphore, #tpu.memory_space<semaphore_mem>>) {add = true}
        %dma_wait3A_59 = arith.constant 0 : i32
        %dma_wait3A_60 = arith.constant 0 : i32
        %dma_wait3A_61 = tpu.memref_slice %arg11[%dma_wait3A_59, %dma_wait3A_60] : memref<10112x128xf32, #tpu.memory_space<vmem_shared>> -> memref<10112x128xf32, #tpu.memory_space<vmem_shared>>
        tpu.wait_indirect_dma semaphore(%run_scoped3A : memref<!tpu.dma_semaphore, #tpu.memory_space<semaphore_mem>>) src(%arg10 : memref<80x128xf32, #tpu.memory_space<vmem>>) dst(%dma_wait3A_61 : memref<10112x128xf32, #tpu.memory_space<vmem_shared>>)
        tpu.yield
      }) : () -> ()
    }
    %scan3A_13 = arith.constant 125 : i32
    %barrier3A_14 = arith.constant 0 : index
    tpu.barrier barrier_id(%barrier3A_14)
    %eq3A_15 = arith.constant 0 : i32
    %eq3A_16 = arith.cmpi eq, %arg0, %eq3A_15 : i32
    %lt3A_17 = arith.constant 15 : i32
    %lt3A_18 = arith.cmpi slt, %arg1, %lt3A_17 : i32
    %and3A = arith.andi %eq3A_16, %lt3A_18 : i1
    %convert_element_type3A_19 = arith.extui %and3A : i1 to i32
    %cond3A_20 = arith.constant 0 : i32
    %cond3A_21 = arith.cmpi ne, %convert_element_type3A_19, %cond3A_20 : i32
    scf.if %cond3A_21 {
      "tpu.region"() ({
        %run_scoped3A = tpu.sem_alloc : memref<!tpu.dma_semaphore, #tpu.memory_space<semaphore_mem>>
        %dma_start3A = arith.constant 0 : i32
        %dma_start3A_46 = tpu.memref_slice %arg6[%mul3A_2, %dma_start3A] : memref<10000x128xf32, #tpu.memory_space<hbm>> -> memref<632x128xf32, #tpu.memory_space<hbm>>
        %dma_start3A_47 = arith.constant 0 : i32
        %dma_start3A_48 = tpu.memref_slice %arg11[%mul3A_2, %dma_start3A_47] : memref<10112x128xf32, #tpu.memory_space<vmem_shared>> -> memref<632x128xf32, #tpu.memory_space<vmem_shared>>
        tpu.enqueue_dma source(%dma_start3A_48 : memref<632x128xf32, #tpu.memory_space<vmem_shared>>) target(%dma_start3A_46 : memref<632x128xf32, #tpu.memory_space<hbm>>) target_semaphore(%run_scoped3A : memref<!tpu.dma_semaphore, #tpu.memory_space<semaphore_mem>>)
        %dma_wait3A = arith.constant 0 : i32
        %dma_wait3A_49 = tpu.memref_slice %arg6[%mul3A_2, %dma_wait3A] : memref<10000x128xf32, #tpu.memory_space<hbm>> -> memref<632x128xf32, #tpu.memory_space<hbm>>
        %dma_wait3A_50 = arith.constant 0 : i32
        %dma_wait3A_51 = tpu.memref_slice %arg11[%mul3A_2, %dma_wait3A_50] : memref<10112x128xf32, #tpu.memory_space<vmem_shared>> -> memref<632x128xf32, #tpu.memory_space<vmem_shared>>
        tpu.wait_dma2 semaphore(%run_scoped3A : memref<!tpu.dma_semaphore, #tpu.memory_space<semaphore_mem>>) src(%dma_wait3A_51 : memref<632x128xf32, #tpu.memory_space<vmem_shared>>) dst(%dma_wait3A_49 : memref<632x128xf32, #tpu.memory_space<hbm>>)
        tpu.yield
      }) : () -> ()
    } else {
    }
    %eq3A_22 = arith.constant 0 : i32
    %eq3A_23 = arith.cmpi eq, %arg0, %eq3A_22 : i32
    %eq3A_24 = arith.constant 15 : i32
    %eq3A_25 = arith.cmpi eq, %arg1, %eq3A_24 : i32
    %and3A_26 = arith.andi %eq3A_23, %eq3A_25 : i1
    %convert_element_type3A_27 = arith.extui %and3A_26 : i1 to i32
    %cond3A_28 = arith.constant 0 : i32
    %cond3A_29 = arith.cmpi ne, %convert_element_type3A_27, %cond3A_28 : i32
    scf.if %cond3A_29 {
      "tpu.region"() ({
        %run_scoped3A = tpu.sem_alloc : memref<!tpu.dma_semaphore, #tpu.memory_space<semaphore_mem>>
        %dma_start3A = arith.constant 0 : i32
        %dma_start3A_46 = tpu.memref_slice %arg6[%mul3A_2, %dma_start3A] : memref<10000x128xf32, #tpu.memory_space<hbm>> -> memref<520x128xf32, #tpu.memory_space<hbm>>
        %dma_start3A_47 = arith.constant 0 : i32
        %dma_start3A_48 = tpu.memref_slice %arg11[%mul3A_2, %dma_start3A_47] : memref<10112x128xf32, #tpu.memory_space<vmem_shared>> -> memref<520x128xf32, #tpu.memory_space<vmem_shared>>
        tpu.enqueue_dma source(%dma_start3A_48 : memref<520x128xf32, #tpu.memory_space<vmem_shared>>) target(%dma_start3A_46 : memref<520x128xf32, #tpu.memory_space<hbm>>) target_semaphore(%run_scoped3A : memref<!tpu.dma_semaphore, #tpu.memory_space<semaphore_mem>>)
        %dma_wait3A = arith.constant 0 : i32
        %dma_wait3A_49 = tpu.memref_slice %arg6[%mul3A_2, %dma_wait3A] : memref<10000x128xf32, #tpu.memory_space<hbm>> -> memref<520x128xf32, #tpu.memory_space<hbm>>
        %dma_wait3A_50 = arith.constant 0 : i32
        %dma_wait3A_51 = tpu.memref_slice %arg11[%mul3A_2, %dma_wait3A_50] : memref<10112x128xf32, #tpu.memory_space<vmem_shared>> -> memref<520x128xf32, #tpu.memory_space<vmem_shared>>
        tpu.wait_dma2 semaphore(%run_scoped3A : memref<!tpu.dma_semaphore, #tpu.memory_space<semaphore_mem>>) src(%dma_wait3A_51 : memref<520x128xf32, #tpu.memory_space<vmem_shared>>) dst(%dma_wait3A_49 : memref<520x128xf32, #tpu.memory_space<hbm>>)
        tpu.yield
      }) : () -> ()
    } else {
    }
    %eq3A_30 = arith.constant 1 : i32
    %eq3A_31 = arith.cmpi eq, %arg0, %eq3A_30 : i32
    %lt3A_32 = arith.constant 15 : i32
    %lt3A_33 = arith.cmpi slt, %arg1, %lt3A_32 : i32
    %and3A_34 = arith.andi %eq3A_31, %lt3A_33 : i1
    %convert_element_type3A_35 = arith.extui %and3A_34 : i1 to i32
    %cond3A_36 = arith.constant 0 : i32
    %cond3A_37 = arith.cmpi ne, %convert_element_type3A_35, %cond3A_36 : i32
    scf.if %cond3A_37 {
      "tpu.region"() ({
        %run_scoped3A = tpu.sem_alloc : memref<!tpu.dma_semaphore, #tpu.memory_space<semaphore_mem>>
        %dma_start3A = arith.constant 0 : i32
        %dma_start3A_46 = tpu.memref_slice %arg7[%mul3A_2, %dma_start3A] : memref<10000x128xf32, #tpu.memory_space<hbm>> -> memref<632x128xf32, #tpu.memory_space<hbm>>
        %dma_start3A_47 = arith.constant 0 : i32
        %dma_start3A_48 = tpu.memref_slice %arg11[%mul3A_2, %dma_start3A_47] : memref<10112x128xf32, #tpu.memory_space<vmem_shared>> -> memref<632x128xf32, #tpu.memory_space<vmem_shared>>
        tpu.enqueue_dma source(%dma_start3A_48 : memref<632x128xf32, #tpu.memory_space<vmem_shared>>) target(%dma_start3A_46 : memref<632x128xf32, #tpu.memory_space<hbm>>) target_semaphore(%run_scoped3A : memref<!tpu.dma_semaphore, #tpu.memory_space<semaphore_mem>>)
        %dma_wait3A = arith.constant 0 : i32
        %dma_wait3A_49 = tpu.memref_slice %arg7[%mul3A_2, %dma_wait3A] : memref<10000x128xf32, #tpu.memory_space<hbm>> -> memref<632x128xf32, #tpu.memory_space<hbm>>
        %dma_wait3A_50 = arith.constant 0 : i32
        %dma_wait3A_51 = tpu.memref_slice %arg11[%mul3A_2, %dma_wait3A_50] : memref<10112x128xf32, #tpu.memory_space<vmem_shared>> -> memref<632x128xf32, #tpu.memory_space<vmem_shared>>
        tpu.wait_dma2 semaphore(%run_scoped3A : memref<!tpu.dma_semaphore, #tpu.memory_space<semaphore_mem>>) src(%dma_wait3A_51 : memref<632x128xf32, #tpu.memory_space<vmem_shared>>) dst(%dma_wait3A_49 : memref<632x128xf32, #tpu.memory_space<hbm>>)
        tpu.yield
      }) : () -> ()
    } else {
    }
    %eq3A_38 = arith.constant 1 : i32
    %eq3A_39 = arith.cmpi eq, %arg0, %eq3A_38 : i32
    %eq3A_40 = arith.constant 15 : i32
    %eq3A_41 = arith.cmpi eq, %arg1, %eq3A_40 : i32
    %and3A_42 = arith.andi %eq3A_39, %eq3A_41 : i1
    %convert_element_type3A_43 = arith.extui %and3A_42 : i1 to i32
    %cond3A_44 = arith.constant 0 : i32
    %cond3A_45 = arith.cmpi ne, %convert_element_type3A_43, %cond3A_44 : i32
    scf.if %cond3A_45 {
      "tpu.region"() ({
        %run_scoped3A = tpu.sem_alloc : memref<!tpu.dma_semaphore, #tpu.memory_space<semaphore_mem>>
        %dma_start3A = arith.constant 0 : i32
        %dma_start3A_46 = tpu.memref_slice %arg7[%mul3A_2, %dma_start3A] : memref<10000x128xf32, #tpu.memory_space<hbm>> -> memref<520x128xf32, #tpu.memory_space<hbm>>
        %dma_start3A_47 = arith.constant 0 : i32
        %dma_start3A_48 = tpu.memref_slice %arg11[%mul3A_2, %dma_start3A_47] : memref<10112x128xf32, #tpu.memory_space<vmem_shared>> -> memref<520x128xf32, #tpu.memory_space<vmem_shared>>
        tpu.enqueue_dma source(%dma_start3A_48 : memref<520x128xf32, #tpu.memory_space<vmem_shared>>) target(%dma_start3A_46 : memref<520x128xf32, #tpu.memory_space<hbm>>) target_semaphore(%run_scoped3A : memref<!tpu.dma_semaphore, #tpu.memory_space<semaphore_mem>>)
        %dma_wait3A = arith.constant 0 : i32
        %dma_wait3A_49 = tpu.memref_slice %arg7[%mul3A_2, %dma_wait3A] : memref<10000x128xf32, #tpu.memory_space<hbm>> -> memref<520x128xf32, #tpu.memory_space<hbm>>
        %dma_wait3A_50 = arith.constant 0 : i32
        %dma_wait3A_51 = tpu.memref_slice %arg11[%mul3A_2, %dma_wait3A_50] : memref<10112x128xf32, #tpu.memory_space<vmem_shared>> -> memref<520x128xf32, #tpu.memory_space<vmem_shared>>
        tpu.wait_dma2 semaphore(%run_scoped3A : memref<!tpu.dma_semaphore, #tpu.memory_space<semaphore_mem>>) src(%dma_wait3A_51 : memref<520x128xf32, #tpu.memory_space<vmem_shared>>) dst(%dma_wait3A_49 : memref<520x128xf32, #tpu.memory_space<hbm>>)
        tpu.yield
      }) : () -> ()
    } else {
    }
    return
  }
}

module attributes {stable_mosaic.version = 14 : i64} {
  func.func @body(%arg0: i32, %arg1: memref<1000x128xf32, #tpu.memory_space<vmem>>, %arg2: memref<1000x128xf32, #tpu.memory_space<vmem>>, %arg3: memref<1000x128xf32, #tpu.memory_space<vmem>>, %arg4: memref<1x1x1000xi32, #tpu.memory_space<vmem>>, %arg5: memref<128x128xf32, #tpu.memory_space<vmem>>, %arg6: memref<1x128xf32, #tpu.memory_space<vmem>>, %arg7: memref<128x128xf32, #tpu.memory_space<vmem>>, %arg8: memref<1x128xf32, #tpu.memory_space<vmem>>, %arg9: memref<128x128xf32, #tpu.memory_space<vmem>>, %arg10: memref<1x128xf32, #tpu.memory_space<vmem>>, %arg11: memref<128x128xf32, #tpu.memory_space<vmem>>, %arg12: memref<1x128xf32, #tpu.memory_space<vmem>>, %arg13: memref<64x128xf32, #tpu.memory_space<vmem>>, %arg14: memref<64x128xf32, #tpu.memory_space<vmem>>) attributes {dimension_semantics = [#tpu.dimension_semantics<arbitrary>], iteration_bounds = array<i64: 10>, scalar_prefetch = 0 : i64, scratch_operands = 1 : i64, tpu.core_type = #tpu.core_type<tc>, window_params = [{transform_indices = @transform_0, window_bounds = array<i64: 1000, 128>}, {transform_indices = @transform_1, window_bounds = array<i64: 1000, 128>}, {transform_indices = @transform_2, window_bounds = array<i64: 1000, 128>}, {transform_indices = @transform_3, window_bounds = array<i64: 1, 1, 1000>}, {pipeline_mode = #tpu.pipeline_mode<synchronous>, transform_indices = @transform_4, window_bounds = array<i64: 128, 128>}, {pipeline_mode = #tpu.pipeline_mode<synchronous>, transform_indices = @transform_5, window_bounds = array<i64: 1, 128>}, {pipeline_mode = #tpu.pipeline_mode<synchronous>, transform_indices = @transform_6, window_bounds = array<i64: 128, 128>}, {pipeline_mode = #tpu.pipeline_mode<synchronous>, transform_indices = @transform_7, window_bounds = array<i64: 1, 128>}, {pipeline_mode = #tpu.pipeline_mode<synchronous>, transform_indices = @transform_8, window_bounds = array<i64: 128, 128>}, {pipeline_mode = #tpu.pipeline_mode<synchronous>, transform_indices = @transform_9, window_bounds = array<i64: 1, 128>}, {pipeline_mode = #tpu.pipeline_mode<synchronous>, transform_indices = @transform_10, window_bounds = array<i64: 128, 128>}, {pipeline_mode = #tpu.pipeline_mode<synchronous>, transform_indices = @transform_11, window_bounds = array<i64: 1, 128>}, {pipeline_mode = #tpu.pipeline_mode<synchronous>, transform_indices = @transform_12, window_bounds = array<i64: 64, 128>}]} {
    %eq3A = arith.constant 0 : i32
    %eq3A_0 = arith.cmpi eq, %arg0, %eq3A : i32
    %convert_element_type3A = arith.extui %eq3A_0 : i1 to i32
    %cond3A = arith.constant 0 : i32
    %cond3A_1 = arith.cmpi ne, %convert_element_type3A, %cond3A : i32
    scf.if %cond3A_1 {
      %broadcast_in_dim3A_57 = arith.constant 0.000000e+00 : f32
      %broadcast_in_dim3A_58 = vector.broadcast %broadcast_in_dim3A_57 : f32 to vector<64x128xf32>
      %swap3A_59 = arith.constant 0 : index
      %swap3A_60 = arith.constant 0 : index
      %swap3A_61 = vector.load %arg14[%swap3A_59, %swap3A_60] : memref<64x128xf32, #tpu.memory_space<vmem>>, vector<64x128xf32>
      tpu.vector_store %arg14[%swap3A_59, %swap3A_60], %broadcast_in_dim3A_58 {strides = array<i32>} : memref<64x128xf32, #tpu.memory_space<vmem>>, vector<64x128xf32>,
    } else {
    }
    %get3A = arith.constant 0 : index
    %get3A_2 = arith.constant 0 : index
    %get3A_3 = vector.load %arg1[%get3A, %get3A_2] : memref<1000x128xf32, #tpu.memory_space<vmem>>, vector<1000x128xf32>
    %get3A_4 = arith.constant 0 : index
    %get3A_5 = arith.constant 0 : index
    %get3A_6 = vector.load %arg2[%get3A_4, %get3A_5] : memref<1000x128xf32, #tpu.memory_space<vmem>>, vector<1000x128xf32>
    %add3A = arith.addf %get3A_3, %get3A_6 : vector<1000x128xf32>
    %get3A_7 = arith.constant 0 : index
    %get3A_8 = arith.constant 0 : index
    %get3A_9 = vector.load %arg3[%get3A_7, %get3A_8] : memref<1000x128xf32, #tpu.memory_space<vmem>>, vector<1000x128xf32>
    %add3A_10 = arith.addf %add3A, %get3A_9 : vector<1000x128xf32>
    %get3A_11 = arith.constant 0 : index
    %get3A_12 = arith.constant 0 : index
    %get3A_13 = vector.load %arg5[%get3A_11, %get3A_12] : memref<128x128xf32, #tpu.memory_space<vmem>>, vector<128x128xf32>
    %dot_general3A = arith.constant dense<0.000000e+00> : vector<1000x128xf32>
    %dot_general3A_14 = tpu.matmul %add3A_10, %get3A_13, %dot_general3A {dimension_numbers = #tpu.dot_dimension_numbers<[1], [0], [0], [1], [0, 0, 1, 1], [], []>, transpose_lhs_hint = false} : vector<1000x128xf32>, vector<128x128xf32>, vector<1000x128xf32> -> vector<1000x128xf32>
    %get3A_15 = arith.constant 0 : index
    %get3A_16 = arith.constant 0 : index
    %get3A_17 = vector.load %arg6[%get3A_15, %get3A_16] : memref<1x128xf32, #tpu.memory_space<vmem>>, vector<1x128xf32>
    %add3A_18 = vector.broadcast %get3A_17 : vector<1x128xf32> to vector<1000x128xf32>
    %add3A_19 = arith.addf %dot_general3A_14, %add3A_18 : vector<1000x128xf32>
    %max3A = arith.constant 0.000000e+00 : f32
    %max3A_20 = vector.broadcast %max3A : f32 to vector<1000x128xf32>
    %max3A_21 = arith.maximumf %add3A_19, %max3A_20 : vector<1000x128xf32>
    %get3A_22 = arith.constant 0 : index
    %get3A_23 = arith.constant 0 : index
    %get3A_24 = vector.load %arg7[%get3A_22, %get3A_23] : memref<128x128xf32, #tpu.memory_space<vmem>>, vector<128x128xf32>
    %dot_general3A_25 = arith.constant dense<0.000000e+00> : vector<1000x128xf32>
    %dot_general3A_26 = tpu.matmul %max3A_21, %get3A_24, %dot_general3A_25 {dimension_numbers = #tpu.dot_dimension_numbers<[1], [0], [0], [1], [0, 0, 1, 1], [], []>, transpose_lhs_hint = false} : vector<1000x128xf32>, vector<128x128xf32>, vector<1000x128xf32> -> vector<1000x128xf32>
    %get3A_27 = arith.constant 0 : index
    %get3A_28 = arith.constant 0 : index
    %get3A_29 = vector.load %arg8[%get3A_27, %get3A_28] : memref<1x128xf32, #tpu.memory_space<vmem>>, vector<1x128xf32>
    %add3A_30 = vector.broadcast %get3A_29 : vector<1x128xf32> to vector<1000x128xf32>
    %add3A_31 = arith.addf %dot_general3A_26, %add3A_30 : vector<1000x128xf32>
    %max3A_32 = arith.constant 0.000000e+00 : f32
    %max3A_33 = vector.broadcast %max3A_32 : f32 to vector<1000x128xf32>
    %max3A_34 = arith.maximumf %add3A_31, %max3A_33 : vector<1000x128xf32>
    %get3A_35 = arith.constant 0 : index
    %get3A_36 = arith.constant 0 : index
    %get3A_37 = arith.constant 0 : index
    %get3A_38 = vector.load %arg4[%get3A_35, %get3A_36, %get3A_37] : memref<1x1x1000xi32, #tpu.memory_space<vmem>>, vector<1x1x1000xi32>
    %get3A_39 = vector.shape_cast %get3A_38 : vector<1x1x1000xi32> to vector<1000xi32>
    %broadcast_in_dim3A = vector.shape_cast %get3A_39 : vector<1000xi32> to vector<1x1000xi32>
    %iota3A = tpu.iota {dimensions = array<i32: 0>} : vector<64x1000xi32>
    %eq3A_40 = vector.broadcast %broadcast_in_dim3A : vector<1x1000xi32> to vector<64x1000xi32>
    %eq3A_41 = arith.cmpi eq, %eq3A_40, %iota3A : vector<64x1000xi32>
    %convert_element_type3A_42 = arith.extui %eq3A_41 : vector<64x1000xi1> to vector<64x1000xi32>
    %convert_element_type3A_43 = arith.sitofp %convert_element_type3A_42 : vector<64x1000xi32> to vector<64x1000xf32>
    %get3A_44 = arith.constant 0 : index
    %get3A_45 = arith.constant 0 : index
    %get3A_46 = vector.load %arg14[%get3A_44, %get3A_45] : memref<64x128xf32, #tpu.memory_space<vmem>>, vector<64x128xf32>
    %dot_general3A_47 = arith.constant dense<0.000000e+00> : vector<64x128xf32>
    %dot_general3A_48 = tpu.matmul %convert_element_type3A_43, %max3A_34, %dot_general3A_47 {dimension_numbers = #tpu.dot_dimension_numbers<[1], [0], [0], [1], [0, 0, 1, 1], [], []>, transpose_lhs_hint = false} : vector<64x1000xf32>, vector<1000x128xf32>, vector<64x128xf32> -> vector<64x128xf32>
    %add3A_49 = arith.addf %get3A_46, %dot_general3A_48 : vector<64x128xf32>
    %swap3A = arith.constant 0 : index
    %swap3A_50 = arith.constant 0 : index
    %swap3A_51 = vector.load %arg14[%swap3A, %swap3A_50] : memref<64x128xf32, #tpu.memory_space<vmem>>, vector<64x128xf32>
    tpu.vector_store %arg14[%swap3A, %swap3A_50], %add3A_49 {strides = array<i32>} : memref<64x128xf32, #tpu.memory_space<vmem>>, vector<64x128xf32>,
    %eq3A_52 = arith.constant 9 : i32
    %eq3A_53 = arith.cmpi eq, %arg0, %eq3A_52 : i32
    %convert_element_type3A_54 = arith.extui %eq3A_53 : i1 to i32
    %cond3A_55 = arith.constant 0 : i32
    %cond3A_56 = arith.cmpi ne, %convert_element_type3A_54, %cond3A_55 : i32
    scf.if %cond3A_56 {
      %get3A_57 = arith.constant 0 : index
      %get3A_58 = arith.constant 0 : index
      %get3A_59 = vector.load %arg14[%get3A_57, %get3A_58] : memref<64x128xf32, #tpu.memory_space<vmem>>, vector<64x128xf32>
      %get3A_60 = arith.constant 0 : index
      %get3A_61 = arith.constant 0 : index
      %get3A_62 = vector.load %arg9[%get3A_60, %get3A_61] : memref<128x128xf32, #tpu.memory_space<vmem>>, vector<128x128xf32>
      %dot_general3A_63 = arith.constant dense<0.000000e+00> : vector<64x128xf32>
      %dot_general3A_64 = tpu.matmul %get3A_59, %get3A_62, %dot_general3A_63 {dimension_numbers = #tpu.dot_dimension_numbers<[1], [0], [0], [1], [0, 0, 1, 1], [], []>, transpose_lhs_hint = false} : vector<64x128xf32>, vector<128x128xf32>, vector<64x128xf32> -> vector<64x128xf32>
      %get3A_65 = arith.constant 0 : index
      %get3A_66 = arith.constant 0 : index
      %get3A_67 = vector.load %arg10[%get3A_65, %get3A_66] : memref<1x128xf32, #tpu.memory_space<vmem>>, vector<1x128xf32>
      %add3A_68 = vector.broadcast %get3A_67 : vector<1x128xf32> to vector<64x128xf32>
      %add3A_69 = arith.addf %dot_general3A_64, %add3A_68 : vector<64x128xf32>
      %max3A_70 = arith.constant 0.000000e+00 : f32
      %max3A_71 = vector.broadcast %max3A_70 : f32 to vector<64x128xf32>
      %max3A_72 = arith.maximumf %add3A_69, %max3A_71 : vector<64x128xf32>
      %get3A_73 = arith.constant 0 : index
      %get3A_74 = arith.constant 0 : index
      %get3A_75 = vector.load %arg11[%get3A_73, %get3A_74] : memref<128x128xf32, #tpu.memory_space<vmem>>, vector<128x128xf32>
      %dot_general3A_76 = arith.constant dense<0.000000e+00> : vector<64x128xf32>
      %dot_general3A_77 = tpu.matmul %max3A_72, %get3A_75, %dot_general3A_76 {dimension_numbers = #tpu.dot_dimension_numbers<[1], [0], [0], [1], [0, 0, 1, 1], [], []>, transpose_lhs_hint = false} : vector<64x128xf32>, vector<128x128xf32>, vector<64x128xf32> -> vector<64x128xf32>
      %get3A_78 = arith.constant 0 : index
      %get3A_79 = arith.constant 0 : index
      %get3A_80 = vector.load %arg12[%get3A_78, %get3A_79] : memref<1x128xf32, #tpu.memory_space<vmem>>, vector<1x128xf32>
      %add3A_81 = vector.broadcast %get3A_80 : vector<1x128xf32> to vector<64x128xf32>
      %add3A_82 = arith.addf %dot_general3A_77, %add3A_81 : vector<64x128xf32>
      %ge3A = arith.constant 0.000000e+00 : f32
      %ge3A_83 = vector.broadcast %ge3A : f32 to vector<64x128xf32>
      %ge3A_84 = arith.cmpf oge, %add3A_82, %ge3A_83 : vector<64x128xf32>
      %mul3A = arith.constant 0.00999999977 : f32
      %mul3A_85 = vector.broadcast %mul3A : f32 to vector<64x128xf32>
      %mul3A_86 = arith.mulf %mul3A_85, %add3A_82 : vector<64x128xf32>
      %select_n3A = arith.select %ge3A_84, %add3A_82, %mul3A_86 : vector<64x128xi1>, vector<64x128xf32>
      %swap3A_87 = arith.constant 0 : index
      %swap3A_88 = arith.constant 0 : index
      %swap3A_89 = vector.load %arg13[%swap3A_87, %swap3A_88] : memref<64x128xf32, #tpu.memory_space<vmem>>, vector<64x128xf32>
      tpu.vector_store %arg13[%swap3A_87, %swap3A_88], %select_n3A {strides = array<i32>} : memref<64x128xf32, #tpu.memory_space<vmem>>, vector<64x128xf32>,
    } else {
    }
    return
  }
  func.func @transform_0(%arg0: i32) -> (i32, i32) {
    %c0_i32 = arith.constant 0 : i32
    %c0_i32_0 = arith.constant 0 : i32
    return %arg0, %c0_i32 : i32, i32
  }
  func.func @transform_1(%arg0: i32) -> (i32, i32) {
    %c0_i32 = arith.constant 0 : i32
    %c0_i32_0 = arith.constant 0 : i32
    return %arg0, %c0_i32 : i32, i32
  }
  func.func @transform_2(%arg0: i32) -> (i32, i32) {
    %c0_i32 = arith.constant 0 : i32
    %c0_i32_0 = arith.constant 0 : i32
    return %arg0, %c0_i32 : i32, i32
  }
  func.func @transform_3(%arg0: i32) -> (i32, i32, i32) {
    %c0_i32 = arith.constant 0 : i32
    %c0_i32_0 = arith.constant 0 : i32
    %c0_i32_1 = arith.constant 0 : i32
    return %arg0, %c0_i32, %c0_i32_0 : i32, i32, i32
  }
  func.func @transform_4(%arg0: i32) -> (i32, i32) {
    %c0_i32 = arith.constant 0 : i32
    %c0_i32_0 = arith.constant 0 : i32
    %c0_i32_1 = arith.constant 0 : i32
    return %c0_i32, %c0_i32_0 : i32, i32
  }
  func.func @transform_5(%arg0: i32) -> (i32, i32) {
    %c0_i32 = arith.constant 0 : i32
    %c0_i32_0 = arith.constant 0 : i32
    %c0_i32_1 = arith.constant 0 : i32
    return %c0_i32, %c0_i32_0 : i32, i32
  }
  func.func @transform_6(%arg0: i32) -> (i32, i32) {
    %c0_i32 = arith.constant 0 : i32
    %c0_i32_0 = arith.constant 0 : i32
    %c0_i32_1 = arith.constant 0 : i32
    return %c0_i32, %c0_i32_0 : i32, i32
  }
  func.func @transform_7(%arg0: i32) -> (i32, i32) {
    %c0_i32 = arith.constant 0 : i32
    %c0_i32_0 = arith.constant 0 : i32
    %c0_i32_1 = arith.constant 0 : i32
    return %c0_i32, %c0_i32_0 : i32, i32
  }
  func.func @transform_8(%arg0: i32) -> (i32, i32) {
    %c0_i32 = arith.constant 0 : i32
    %c0_i32_0 = arith.constant 0 : i32
    %c0_i32_1 = arith.constant 0 : i32
    return %c0_i32, %c0_i32_0 : i32, i32
  }
  func.func @transform_9(%arg0: i32) -> (i32, i32) {
    %c0_i32 = arith.constant 0 : i32
    %c0_i32_0 = arith.constant 0 : i32
    %c0_i32_1 = arith.constant 0 : i32
    return %c0_i32, %c0_i32_0 : i32, i32
  }
  func.func @transform_10(%arg0: i32) -> (i32, i32) {
    %c0_i32 = arith.constant 0 : i32
    %c0_i32_0 = arith.constant 0 : i32
    %c0_i32_1 = arith.constant 0 : i32
    return %c0_i32, %c0_i32_0 : i32, i32
  }
  func.func @transform_11(%arg0: i32) -> (i32, i32) {
    %c0_i32 = arith.constant 0 : i32
    %c0_i32_0 = arith.constant 0 : i32
    %c0_i32_1 = arith.constant 0 : i32
    return %c0_i32, %c0_i32_0 : i32, i32
  }
  func.func @transform_12(%arg0: i32) -> (i32, i32) {
    %c0_i32 = arith.constant 0 : i32
    %c0_i32_0 = arith.constant 0 : i32
    %c0_i32_1 = arith.constant 0 : i32
    return %c0_i32, %c0_i32_0 : i32, i32
  }
}

</mosaic_0001>

<sc_bundles>
// kernel: kernel.4.cloned.1.call-start
scs
__scs_entry_jumppad:
0x0: {  	(pc) =	sbr.rel $0x88, $3  }
0x1: {  	(tag) =	ssettag $0x0;
	lr =	simm.s32 $0x1  }
0x2: {  	[smem:$0x3F92] =	sst lr;
	_ =	strace $0xD0000000  }
0x3: {  	_ = 	snop  }
0x4: {  	_ = 	snop  }
0x5: {  	_ = 	snop  }
0x6: {  	_ = 	snop  }
0x7: {  	_ = 	snop  }
__scs_overlays_trampoline_lowered:
0x8: {  	[smem:$0x3FA1] =	sst s0  }
0x9: {  	[smem:$0x3FA2] =	sst s1  }
0xa: {  	[smem:$0x3FA3] =	sst s2  }
0xb: {  	[smem:$0x3FA4] =	sst s3  }
0xc: {  	[smem:$0x3FA5] =	sst s4  }
0xd: {  	[smem:$0x3FA6] =	sst s5  }
0xe: {  	[smem:$0x3FA7] =	sst s6  }
0xf: {  	[smem:$0x3FA8] =	sst s7  }
0x10: {  	[smem:$0x3FA9] =	sst s8  }
0x11: {  	[smem:$0x3FAA] =	sst s9;
	s0 =	simm.s32 @!p0 $0x0  }
0x12: {  	s1 =	sld [smem:$0x3F90];
	s0 =	simm.s32 @p0 $0x1  }
0x13: {  	[smem:$0x3FAB] =	sst s0;
	s0 =	simm.s32 @!p1 $0x0  }
0x14: {  	s2 =	sld [smem:$0x3F8F];
	s0 =	simm.s32 @p1 $0x1  }
0x15: {  	[smem:$0x3FAC] =	sst s0;
	s0 =	simm.s32 @!p2 $0x0  }
0x16: {  	s3 =	sld [smem:$0x3FDB];
	s0 =	simm.s32 @p2 $0x1  }
0x17: {  	s4 =	simm.s32 $0x1BF5;
	[smem:$0x3FAE] =	sst s0  }
0x18: {  	s0 =	sld [smem:$0x3F91];
	_ =	swait.ge [sflag:s4], $0x0  }
0x19: {  	s7 =	sld [smem:$0x3F92]  }
0x1a: {  	s8 =	sadd.s32 $0xFFFFE003, lr  }
0x1b: {  	s9 =	sadd.s32 $0xFFFFFEF7, lr;
	s5 =	simm.s32 $0xFFFFFFFF;
	p2 =	slt.u32 s8, $0xFFFFF086  }
0x1c: {  	p1 =	slt.u32 s9, $0xF7A;
	s5 =	simm.s32 @!p2 $0x0  }
0x1d: {  	s5 =	simm.s32 @p1 $0x1;
	p0 =	seq.s32 s7, s2  }
0x1e: {  	s7 =	smul.u32 @!p0 $0xF7A, s2;
	p2 =	seq.s32 @!p0 s5, $0x0  }
0x1f: {  	s9 =	smul.u32 $0xF7A, s1;
	s8 =	simm.s32 @!p0 $0x1BF5;
	p2 =	por !p2, p0  }
0x20: {  	[sflag:s8] =	ssyncset.s32 @!p0 $0xFFFFF086;
	s6 =	sadd.s32 @!p0 s3, s7;
	s7 =	simm.s32 @!p0 $0x108  }
0x21: {  	s3 =	sadd.s32 s3, s9;
	s6 =	sadd.s32 @!p0 $0x88, s6;
	s7 =	simm.s32 @p2 $0x1082  }
0x22: {  	[simem:s7], [sflag:s8] =	dma.local @!p0 [hbm:s6], $0xF7A  }
0x23: {  	s9 =	sor.u32 $0xD0000000, s2;
	s6 =	simm.s32 $0x108;
	_ =	swait.ge @!p0 [sflag:s8], $0x0  }
0x24: {  	s3 =	sadd.s32 $0x88, s3;
	s6 =	simm.s32 @!p1 $0x1082;
	[sflag:s4] =	ssyncset.s32 $0xFFFFF086  }
0x25: {  	[simem:s6], [sflag:s4] =	dma.local [hbm:s3], $0xF7A  }
0x26: {  	[smem:$0x3F92] =	sst s1;
	(tag) =	ssettag s2;
	_ =	strace s9  }
0x27: {  	s1 =	sld [smem:$0x3FA2]  }
0x28: {  	s2 =	sld [smem:$0x3FA3]  }
0x29: {  	s4 =	sld [smem:$0x3FA5]  }
0x2a: {  	p0 =	seq.s32 s5, $0x0;
	s5 =	sld [smem:$0x3FA6]  }
0x2b: {  	s6 =	sld [smem:$0x3FA7]  }
0x2c: {  	s7 =	sld [smem:$0x3FA8]  }
0x2d: {  	s3 =	simm.s32 $0x108;
	s8 =	sld [smem:$0x3FA9]  }
0x2e: {  	s3 =	simm.s32 @!p0 $0x1082;
	s9 =	sld [smem:$0x3FAA]  }
0x2f: {  	lr =	sadd.s32 s0, s3;
	s0 =	sld [smem:$0x3FA1]  }
0x30: {  	s3 =	sld [smem:$0x3FA4]  }
0x31: {  	[smem:$0x3FAD] =	sst s10  }
0x32: {  	s10 =	sld [smem:$0x3FAB];
	_ =	sdelay $0x3  }
0x33: {  	p0 =	seq.s32 s10, $0x1;
	s10 =	sld [smem:$0x3FAD];
	_ =	sdelay $0x3  }
0x34: {  	[smem:$0x3FAD] =	sst s10  }
0x35: {  	s10 =	sld [smem:$0x3FAC];
	_ =	sdelay $0x3  }
0x36: {  	p1 =	seq.s32 s10, $0x1;
	s10 =	sld [smem:$0x3FAD];
	_ =	sdelay $0x3  }
0x37: {  	[smem:$0x3FAD] =	sst s10  }
0x38: {  	s10 =	sld [smem:$0x3FAE]  }
0x39: {  	_ = 	snop;
	(pc) =	sbr.ind lr, $3  }
0x3a: {  	_ = 	snop  }
0x3b: {  	_ = 	snop  }
0x3c: {  	p2 =	seq.s32 s10, $0x1;
	s10 =	sld [smem:$0x3FAD]  }
0x3d: {  	_ =	shalt  }
0x3e: {  	_ =	shalt  }
0x3f: {  	_ =	shalt  }
0x40: {  	_ =	shalt  }
0x41: {  	_ =	shalt  }
0x42: {  	_ =	shalt  }
0x43: {  	_ =	shalt  }
0x44: {  	_ =	shalt  }
0x45: {  	_ =	shalt  }
0x46: {  	_ =	shalt  }
0x47: {  	_ =	shalt  }
0x48: {  	_ =	shalt  }
0x49: {  	_ =	shalt  }
0x4a: {  	_ =	shalt  }
0x4b: {  	_ =	shalt  }
0x4c: {  	_ =	shalt  }
0x4d: {  	_ =	shalt  }
0x4e: {  	_ =	shalt  }
0x4f: {  	_ =	shalt  }
0x50: {  	_ =	shalt  }
0x51: {  	_ =	shalt  }
0x52: {  	_ =	shalt  }
0x53: {  	_ =	shalt  }
0x54: {  	_ =	shalt  }
0x55: {  	_ =	shalt  }
0x56: {  	_ =	shalt  }
0x57: {  	_ =	shalt  }
0x58: {  	_ =	shalt  }
0x59: {  	_ =	shalt  }
0x5a: {  	_ =	shalt  }
0x5b: {  	_ =	shalt  }
0x5c: {  	_ =	shalt  }
0x5d: {  	_ =	shalt  }
0x5e: {  	_ =	shalt  }
0x5f: {  	_ =	shalt  }
0x60: {  	_ =	shalt  }
0x61: {  	_ =	shalt  }
0x62: {  	_ =	shalt  }
0x63: {  	_ =	shalt  }
0x64: {  	_ =	shalt  }
0x65: {  	_ =	shalt  }
0x66: {  	_ =	shalt  }
0x67: {  	_ =	shalt  }
0x68: {  	_ =	shalt  }
0x69: {  	_ =	shalt  }
0x6a: {  	_ =	shalt  }
0x6b: {  	_ =	shalt  }
0x6c: {  	_ =	shalt  }
0x6d: {  	_ =	shalt  }
0x6e: {  	_ =	shalt  }
0x6f: {  	_ =	shalt  }
0x70: {  	_ =	shalt  }
0x71: {  	_ =	shalt  }
0x72: {  	_ =	shalt  }
0x73: {  	_ =	shalt  }
0x74: {  	_ =	shalt  }
0x75: {  	_ =	shalt  }
0x76: {  	_ =	shalt  }
0x77: {  	_ =	shalt  }
0x78: {  	_ =	shalt  }
0x79: {  	_ =	shalt  }
0x7a: {  	_ =	shalt  }
0x7b: {  	_ =	shalt  }
0x7c: {  	_ =	shalt  }
0x7d: {  	_ =	shalt  }
0x7e: {  	_ =	shalt  }
0x7f: {  	_ =	shalt  }
0x80: {  	_ =	shalt  }
0x81: {  	_ =	shalt  }
0x82: {  	_ =	shalt  }
0x83: {  	_ =	shalt  }
0x84: {  	_ =	shalt  }
0x85: {  	_ =	shalt  }
0x86: {  	_ =	shalt  }
0x87: {  	_ =	shalt  }
.Lfunc_end0:
.L_simem_size_0:
called_computation_lowered:
.L_overlay_start_0:
0x88: {  	s2 =	sld [smem:$0x3FD9]  }
0x89: {  	s3 =	sld [smem:$0x3FFE];
	_ =	sdelay $0x1  }
0x8a: {  	s1 =	srdreg.scid  }
0x8b: {  	s0 =	sand.u32 $0x1, s1  }
0x8c: {  	s17 =	sshll.u32 s0, $0xA;
	s2 =	sadd.s32 s3, s2  }
0x8d: {  	s2 =	sadd.s32 s2, s17  }
0x8e: {  	[smem:$0x3FB9] =	sst s2  }
0x8f: {  	_ = 	snop  }
0x90: {  	s2 =	sld [smem:$0x3FC9];
	(tm) =	ssettm $0x1  }
0x91: {  	s18 =	sld [smem:$0x3FFB];
	_ =	sdelay $0x3  }
0x92: {  	_ =	strace s18  }
0x93: {  	s3 =	sld [smem:$0x3FFC];
	_ =	sdelay $0x3  }
0x94: {  	_ =	strace s3  }
0x95: {  	s3 =	sld [smem:$0x3FFD];
	_ =	sdelay $0x3  }
0x96: {  	_ =	strace s3  }
0x97: {  	_ =	strace $0x8FFFFFFF  }
0x98: {  	s19 =	sld [smem:$0x3FDB];
	_ =	sdelay $0x1  }
0x99: {  	s4 =	simm.s32 $_scs_section_size  }
0x9a: {  	s5 =	simm.s32 $_size__tile_overlayer_lowered;
	s6 =	simm.s32 $_tile_overlayer_lowered  }
0x9b: {  	s22 =	simm.s32 $0x1BFF;
	s21 =	sshll.u32 s6, $0x1;
	s3 =	sadd.s32 s4, s19  }
0x9c: {  	s7 =	simm.s32 $0x0;
	s20 =	sshll.u32 s5, $0x1;
	s5 =	sadd.s32 s21, s3  }
0x9d: {  	[timem:s7], [sflag:s22] =	dma.local [hbm:s5], s20  }
0x9e: {  	_ =	swait.ge [sflag:s22], s20  }
0x9f: {  	s4 =	ssub.s32 $0x0, s20;
	[sflag:s22] =	ssyncset.done $0x0  }
0xa0: {  	[sflag:s22] =	ssyncadd.s32 s4;
	_ =	sdelay $0x1  }
0xa1: {  	s23 =	simm.s32 $0x1B8B  }
0xa2: {  	_ =	swait.ge [sflag:s23], $0x1  }
0xa3: {  	[sflag:s23] =	ssyncset.done $0x0  }
0xa4: {  	s25 =	simm.s32 $0x1B8E;
	s24 =	sld [smem:$0x3FFE];
	[sflag:s23] =	ssyncadd.s32 $0xFFFFFFFF  }
0xa5: {  	s26 =	simm.s32 $execute0_lowered;
	[smem:$0x3FD2] =	sst s25  }
0xa6: {  	s5 =	sshll.u32 s26, $0x1;
	_ =	strace $0x80000046;
	[dreg:$0x1] =	wrdreg $0xFFFFFFFF  }
0xa7: {  	s28 =	simm.s32 $_size_execute0_lowered;
	s3 =	sadd.s32 s3, s5;
	[dreg:$0x0] =	wrdreg $0x0  }
0xa8: {  	s5 =	sshll.u32 s28, $0x1;
	[dreg:$0x2] =	wrdreg s3  }
0xa9: {  	[dreg:$0x3] =	wrdreg s5  }
0xaa: {  	[dreg:$0x4] =	wrdreg $0xC0  }
0xab: {  	_ =	task [dreg:s7], $0x5FFFF  }
0xac: {  	[dreg:$0x1] =	wrdreg $0xFFFFFFFF  }
0xad: {  	[dreg:$0x0] =	wrdreg $0x60  }
0xae: {  	[dreg:$0x2] =	wrdreg s2  }
0xaf: {  	[dreg:$0x3] =	wrdreg s24  }
0xb0: {  	[dreg:$0x4] =	wrdreg $0x29000  }
0xb1: {  	[dreg:$0x5] =	wrdreg $0x9  }
0xb2: {  	_ =	task.clear_ibuf [dreg:s7], $0x6FFFF;
	_ =	strace $0x90000046  }
0xb3: {  	s29 =	simm.s32 $0x9;
	_ =	strace $0x80000048  }
0xb4: {  	_ =	swait.ge [sflag:s29], $0x1  }
0xb5: {  	[sflag:s29] =	ssyncadd.s32 $0xFFFFFFFF  }
0xb6: {  	_ =	strace $0x90000048  }
0xb7: {  	_ =	sfence  }
0xb8: {  	s30 =	sld [smem:$0x0];
	_ =	sdelay $0x2  }
0xb9: {  	s31 =	sshll.u32 s1, $0xD;
	s1 =	sshrl.u32 s1, $0x2  }
0xba: {  	s3 =	sand.u32 $0x4000, s31;
	s1 =	sadd.s32 s1, s30  }
0xbb: {  	s0 =	sor.u32 s3, s0;
	s1 =	sshll.u32 s1, $0x11  }
0xbc: {  	s0 =	sor.u32 s1, s0  }
0xbd: {  	s0 =	sadd.s32 $0x8F2B, s0  }
0xbe: {  	[sflag:s0] =	ssyncadd.remote.s32 $0x1  }
0xbf: {  	_ =	sfence.sel $0xFFFF  }
0xc0: {  	[dreg:$0x0] =	wrdreg $0xFFFFFFFF;
	(pc) =	sbr.abs _section_cstart, $3  }
0xc1: {  	[dreg:$0x1] =	wrdreg $0xFFFFFFFF  }
0xc2: {  	_ =	task.clear_ibuf [dreg:s7], $0x2FFFF;
	_ =	strace $0x9FFFFFFF  }
0xc3: {  	(tm) =	ssettm $0x7FFFFFFF  }
tec
execute0_lowered:
.L_overlay_start_1:
0x0: {  	(tag) =	ssettag $0x1  }
0x1: {  	s1 =	rddreg [dreg:$0x0]  }
0x2: {  	s0 =	srdreg.scid;
	s8 =	rddreg [dreg:$0x1]  }
0x3: {  	s3 =	rddreg [dreg:$0x2];
	s4 =	simm.s32 $0x0;
	s19 =	simm.s32 $0x2  }
0x4: {  	s20 =	simm.s32 $0x80;
	s21 =	simm.s32 $0x50;
	s11 =	sand.u32 $0x1, s0  }
0x5: {  	s22 =	simm.s32 $0x100;
	s0 =	stileid.u32;
	s5 =	smul.u32 $0x27100, s11  }
0x6: {  	s23 =	simm.s32 $0x1;
	s25 =	simm.s32 $0x1FC2;
	s6 =	smul.u32 $0x2710, s0  }
0x7: {  	s26 =	simm.s32 $0x0;
	[smem:$0x7FF] =	sst s4;
	s12 =	smul.u32 $0x2780, s0  }
0x8: {  	_ =	strace $0x80000047;
	s7 =	ssub.s32 $0x2, s11;
	s13 =	smul.u32 $0x4F000, s0  }
0x9: {  	p0 =	seq.s32 s0, $0xF;
	p3 =	sne.s32 s0, $0xF;
	p4 =	seq.s32 s11, $0x0  }
0xa: {  	p1 =	seq.s32 s11, $0x1;
	s9 =	sshrl.u32 s7, $0x1;
	p2 =	por !p4, !p3  }
0xb: {  	p4 =	por !p4, !p0;
	p5 =	por !p3, !p1;
	s17 =	sshll.u32 @!p0 s0, $0x6  }
0xc: {  	s5 =	sadd.s32 s6, s5;
	s10 =	sadd.s32 s12, s8;
	s6 =	sadd.s32 $0x64000, s8  }
0xd: {  	s14 =	ssub.s32 s7, s9;
	s7 =	sadd.s32 $0x128400, s3;
	s31 =	sshrl.u32 s13, $0x2  }
0xe: {  	p2 =	por !p2, !p2;
	p3 =	por !p4, !p4;
	p6 =	por !p5, !p5  }
0xf: {  	s17 =	sor.u32 @!p0 $0x1C02, s17;
	s5 =	sshrl.u32 s5, $0x3;
	s9 =	sadd.s32 s31, s3  }
.Ltmp0:
0x10: {  	s10 =	sadd.s32 $0x15C00, s10;
	s13 =	smax.u32 s14, $0x1;
	(pc) =	sbr.rel .LBB2_1-.Ltmp0, $4  }
0x11: {  	s16 =	sshrl.u32 @p0 s7, $0x3;
	s24 =	sshll.u32 @p2 s0, $0x6;
	p4 =	por !p6, p3  }
0x12: {  	s15 =	sadd.s32 s5, s8;
	s5 =	sadd.s32 $0x3CE00, s8;
	s8 =	sadd.s32 $0x3AC80, s8  }
0x13: {  	s18 =	sshrl.u32 @!p0 s9, $0x3;
	s24 =	sor.u32 @p2 $0x1C02, s24;
	s11 =	sadd.s32 s5, s12  }
0x14: {  	s12 =	sadd.s32 s6, s12;
	s14 =	sadd.s32 $0x2000, s15;
	s15 =	sadd.s32 $0xBE00, s15  }
.LBB2_5:
0x15: {  	s26 =	sadd.s32 $0x1, s26  }
0x16: {  	p5 =	sne.s32 s26, s13  }
.Ltmp1:
0x17: {  	_ = 	snop;
	(pc) =	sbr.rel @!p5 .LBB2_6-.Ltmp1, $1  }
0x18: {  	_ =	sdelay $0x3  }
.LBB2_1:
0x19: {  	s28 =	simm.s32 @p0 $0x1FC2  }
0x1a: {  	[spmem:s16], [sflag:s28] =	dma.local @p0 [hbm:s8], $0x2080  }
0x1b: {  	s28 =	simm.s32 @p0 $0x2  }
0x1c: {  	_ =	swait.ge @p0 [sflag:s28], $0x2080  }
0x1d: {  	[sflag:s28] =	ssyncset.done @p0 $0x0  }
0x1e: {  	[sflag:s28] =	ssyncadd.s32 @p0 $0xFFFFDF80;
	s28 =	simm.s32 @!p0 $0x2  }
0x1f: {  	[spmem:s18], [sflag:s17] =	dma.local @!p0 [hbm:s10], $0x2780  }
0x20: {  	_ =	swait.ge @!p0 [sflag:s28], $0x2780  }
0x21: {  	[sflag:s28] =	ssyncset.done @!p0 $0x0  }
0x22: {  	[sflag:s28] =	ssyncadd.s32 @!p0 $0xFFFFD880  }
0x23: {  	s28 =	sadd.s32 $0x0, s15;
	[bflag:$0x0] =	sbarrier.arrive $0xFFFF  }
0x24: {  	[tilespmem:s4], [sflag:$0x2] =	stream.linear.gather [hbm4b:s28+s4], $0x50, $0x38;
	[tilespmem:$0x16500] =	vst v63  }
0x25: {  	_ =	swait.ge [sflag:s19], $0x50  }
0x26: {  	[sflag:s19] =	ssyncset.done $0x0  }
0x27: {  	s28 =	sadd.s32 $0x0, s14;
	[sflag:s19] =	ssyncadd.s32 $0xFFFFFFB0  }
0x28: {  	[tilespmem:s20], [sflag:$0x2] =	stream.linear.gather [hbm4b:s28+s4], $0x50, $0x38;
	[tilespmem:$0x16500] =	vst v63  }
0x29: {  	_ =	swait.ge [sflag:s19], $0x50  }
0x2a: {  	[sflag:s19] =	ssyncset.done $0x0  }
0x2b: {  	[sflag:s19] =	ssyncadd.s32 $0xFFFFFFB0  }
0x2c: {  	[tilespmem:s22], [sflag:$0x1] =	stream.indirect.gather [hbm4b:s1+s21], $0x80, s4, s21, $0xb8;
	[tilespmem:$0x16500] =	vst v63  }
0x2d: {  	_ =	swait.ge [sflag:s23], $0x2800  }
0x2e: {  	[sflag:s23] =	ssyncset.done $0x0  }
0x2f: {  	[sflag:s23] =	ssyncadd.s32 $0xFFFFD800  }
0x30: {  	[spmem:s3] =	stream.indirect.scatter.add.f32 [tilespmem:s22], [sflag:$0x2], $0x80, s20, s21, $0xb8;
	[tilespmem:$0x16500] =	vst v63  }
0x31: {  	_ =	swait.ge [sflag:s19], $0x2800  }
0x32: {  	s29 =	simm.s32 $0x14;
	s28 =	simm.s32 $0xA;
	[sflag:s19] =	ssyncset.done $0x0  }
.LBB2_2:
0x33: {  	s30 =	sadd.s32 s28, s15  }
0x34: {  	[sflag:s19] =	ssyncadd.s32 $0xFFFFD800;
	s31 =	smov.u32 s29;
	s2 =	sadd.s32 $0xA, s29  }
0x35: {  	[tilespmem:s4], [sflag:$0x2] =	stream.linear.gather [hbm4b:s30+s4], $0x50, $0x38;
	[tilespmem:$0x16500] =	vst v63  }
0x36: {  	p5 =	sne.s32 s29, $0x4D8;
	_ =	swait.ge [sflag:s19], $0x50  }
0x37: {  	[sflag:s19] =	ssyncset.done $0x0  }
0x38: {  	s29 =	sadd.s32 s28, s14;
	s28 =	smov.u32 s31;
	[sflag:s19] =	ssyncadd.s32 $0xFFFFFFB0  }
0x39: {  	[tilespmem:s20], [sflag:$0x2] =	stream.linear.gather [hbm4b:s29+s4], $0x50, $0x38;
	[tilespmem:$0x16500] =	vst v63  }
0x3a: {  	_ =	swait.ge [sflag:s19], $0x50  }
0x3b: {  	[sflag:s19] =	ssyncset.done $0x0  }
0x3c: {  	[sflag:s19] =	ssyncadd.s32 $0xFFFFFFB0  }
0x3d: {  	[tilespmem:s22], [sflag:$0x1] =	stream.indirect.gather [hbm4b:s1+s21], $0x80, s4, s21, $0xb8;
	[tilespmem:$0x16500] =	vst v63  }
0x3e: {  	_ =	swait.ge [sflag:s23], $0x2800  }
.Ltmp2:
0x3f: {  	[sflag:s23] =	ssyncset.done $0x0;
	(pc) =	sbr.rel @p5 .LBB2_2-.Ltmp2, $4  }
0x40: {  	[sflag:s23] =	ssyncadd.s32 $0xFFFFD800  }
0x41: {  	[spmem:s3] =	stream.indirect.scatter.add.f32 [tilespmem:s22], [sflag:$0x2], $0x80, s20, s21, $0xb8;
	[tilespmem:$0x16500] =	vst v63  }
0x42: {  	_ =	swait.ge [sflag:s19], $0x2800  }
0x43: {  	s29 =	smov.u32 s2;
	[sflag:s19] =	ssyncset.done $0x0  }
0x44: {  	s2 =	sadd.s32 s28, s15;
	[sflag:s19] =	ssyncadd.s32 $0xFFFFD800  }
0x45: {  	[tilespmem:s4], [sflag:$0x2] =	stream.linear.gather [hbm4b:s2+s4], $0x50, $0x38;
	[tilespmem:$0x16500] =	vst v63  }
0x46: {  	_ =	swait.ge [sflag:s19], $0x50  }
0x47: {  	[sflag:s19] =	ssyncset.done $0x0  }
0x48: {  	s31 =	sadd.s32 s28, s14;
	[sflag:s19] =	ssyncadd.s32 $0xFFFFFFB0  }
0x49: {  	[tilespmem:s20], [sflag:$0x2] =	stream.linear.gather [hbm4b:s31+s4], $0x50, $0x38;
	[tilespmem:$0x16500] =	vst v63  }
0x4a: {  	_ =	swait.ge [sflag:s19], $0x50  }
0x4b: {  	[sflag:s19] =	ssyncset.done $0x0  }
0x4c: {  	[sflag:s19] =	ssyncadd.s32 $0xFFFFFFB0  }
0x4d: {  	[tilespmem:s22], [sflag:$0x1] =	stream.indirect.gather [hbm4b:s1+s21], $0x80, s4, s21, $0xb8;
	[tilespmem:$0x16500] =	vst v63  }
0x4e: {  	_ =	swait.ge [sflag:s23], $0x2800  }
0x4f: {  	[sflag:s23] =	ssyncset.done $0x0  }
0x50: {  	[sflag:s23] =	ssyncadd.s32 $0xFFFFD800  }
0x51: {  	[spmem:s3] =	stream.indirect.scatter.add.f32 [tilespmem:s22], [sflag:$0x2], $0x80, s20, s21, $0xb8;
	[tilespmem:$0x16500] =	vst v63  }
0x52: {  	_ =	swait.ge [sflag:s19], $0x2800  }
0x53: {  	[sflag:s19] =	ssyncset.done $0x0  }
0x54: {  	p5 =	por @!p4 $0x1, $0x1;
	p6 =	por p1, p1;
	[sflag:s19] =	ssyncadd.s32 $0xFFFFD800  }
0x55: {  	s2 =	sshrl.u32 @p2 s9, $0x3;
	p6 =	por @!p4 p5, p5;
	[bflag:$0x0] =	sbarrier.arrive $0xFFFF  }
0x56: {  	[hbm:s11], [sflag:s24] =	dma.local @p2 [spmem:s2], $0x2780  }
0x57: {  	p5 =	por @!p3 !p6, !p0;
	s2 =	simm.s32 @p2 $0x2  }
0x58: {  	p5 =	por @!p3 !p5, !p5;
	_ =	swait.ge @p2 [sflag:s2], $0x2780  }
0x59: {  	s28 =	sshll.u32 @!p4 s0, $0x6;
	p5 =	por p3, p5;
	[sflag:s2] =	ssyncset.done @p2 $0x0  }
0x5a: {  	[sflag:s2] =	ssyncadd.s32 @p2 $0xFFFFD880;
	s2 =	sor.u32 @!p4 $0x1C02, s28;
	s28 =	sshrl.u32 @!p4 s9, $0x3  }
0x5b: {  	[hbm:s12], [sflag:s2] =	dma.local @!p4 [spmem:s28], $0x2780  }
.Ltmp3:
0x5c: {  	_ = 	snop;
	(pc) =	sbr.rel @!p5 .LBB2_5-.Ltmp3, $4  }
0x5d: {  	s2 =	simm.s32 @!p4 $0x2  }
0x5e: {  	_ =	swait.ge @!p4 [sflag:s2], $0x2780  }
0x5f: {  	[sflag:s2] =	ssyncset.done @!p4 $0x0  }
0x60: {  	[sflag:s2] =	ssyncadd.s32 @!p4 $0xFFFFD880  }
0x61: {  	s2 =	smov.u32 s6  }
0x62: {  	s2 =	smov.u32 @p3 s5  }
.Ltmp4:
0x63: {  	s28 =	sshrl.u32 s7, $0x3;
	s2 =	sadd.s32 $0x25080, s2;
	(pc) =	sbr.rel .LBB2_5-.Ltmp4, $4  }
0x64: {  	[hbm:s2], [sflag:s25] =	dma.local [spmem:s28], $0x2080  }
0x65: {  	_ =	swait.ge [sflag:s19], $0x2080  }
0x66: {  	[sflag:s19] =	ssyncset.done $0x0  }
0x67: {  	[sflag:s19] =	ssyncadd.s32 $0xFFFFDF80  }
.LBB2_6:
0x68: {  	_ =	sfence.sel $0x180000  }
0x69: {  	[bflag:$0x0] =	sbarrier.arrive $0xFFFF  }
0x6a: {  	_ =	strace $0x90000047  }
0x6b: {  	[bflag:$0x2] =	sbarrier.arrive $0xFFFF  }
0x6c: {  	p0 =	sne.s32 s0, $0x0;
	s0 =	rddreg [dreg:$0x3]  }
0x6d: {  	s0 =	sadd.s32 @!p0 $0x100000, s0  }
0x6e: {  	[sflag:s0] =	ssyncadd.tile.s32 @!p0 $0x1;
	_ =	shalt  }
.Lfunc_end2:
_tile_overlayer_lowered:
.L_overlay_start_2:
0x6f: {  	(tag) =	ssettag $0x2  }
0x70: {  	s0 =	rddreg [dreg:$0x0];
	s2 =	stileid.u32  }
0x71: {  	s1 =	rddreg [dreg:$0x1];
	p0 =	sne.s32 s2, $0x0  }
0x72: {  	s3 =	rddreg [dreg:$0x2];
	[bflag:$0x3] =	sbarrier.arrive $0xFFFF;
	s2 =	simm.s32 @!p0 $0x1C02  }
0x73: {  	[timem:s3], [sflag:s2] =	dma.local @!p0 [hbm:s0], s1  }
0x74: {  	s0 =	simm.s32 @!p0 $0x2  }
0x75: {  	_ =	swait.ge @!p0 [sflag:s0], s1  }
0x76: {  	s1 =	ssub.s32 @!p0 $0x0, s1;
	[sflag:s0] =	ssyncset.done @!p0 $0x0  }
0x77: {  	[sflag:s0] =	ssyncadd.s32 @!p0 s1  }
0x78: {  	[bflag:$0x3] =	sbarrier.arrive $0xFFFF  }
0x79: {  	_ =	shalt  }

</sc_bundles>
